<compile_context>
chip_gen: v7x
topology: tpu7x:2x2x1
jax: 0.10.2.dev20260603
libtpu: 0.0.44.dev20260713+nightly
codegen_flags: <defaults>
</compile_context>

<pallas_src>
import functools
import jax
import jax.numpy as jnp
from jax import lax
from jax.experimental import pallas as pl
from jax.experimental.pallas import tpu as pltpu
from jax.experimental.pallas import tpu_sc as plsc

D_MODEL_K = 1024
N_EXPERTS_K = 16
TOP_K_K = 8
TOKENS_K = 2048

_info = plsc.get_sparse_core_info()
_NC, _NS, _L = _info.num_cores, _info.num_subcores, _info.num_lanes
_NW = _NC * _NS
_TOK_PER_W = TOKENS_K // _NW
_CHUNK = _TOK_PER_W * N_EXPERTS_K


def _logits_body(h_ref, gw_ref, logits_ref):
    logits_ref[...] = jax.lax.dot_general(
        h_ref[...], gw_ref[...], (((1,), (1,)), ((), ())),
        preferred_element_type=jnp.float32)


_router_mesh = plsc.VectorSubcoreMesh(core_axis_name="c", subcore_axis_name="s")


@functools.partial(
    pl.kernel,
    mesh=_router_mesh,
    compiler_params=pltpu.CompilerParams(needs_layout_passes=False),
    out_type=jax.ShapeDtypeStruct((TOKENS_K * N_EXPERTS_K,), jnp.float32),
    scratch_types=[
        pltpu.VMEM((_CHUNK,), jnp.float32),
        pltpu.VMEM((_CHUNK,), jnp.float32),
        pltpu.VMEM((_L,), jnp.float32),
    ],
)
def _sc_router(logits_hbm, comb_hbm, lg_v, cb_v, tmp_v):
    wid = lax.axis_index("s") * _NC + lax.axis_index("c")
    base = wid * _CHUNK
    pltpu.sync_copy(logits_hbm.at[pl.ds(base, _CHUNK)], lg_v)
    lane = lax.iota(jnp.int32, _L)
    ones = jnp.ones((_L,), jnp.float32)
    keep = lane < TOP_K_K

    def body(i, carry):
        l = lg_v[pl.ds(i * N_EXPERTS_K, N_EXPERTS_K)]
        _sorted, order = plsc.sort_key_val(l, lane, descending=True)
        tmp_v[...] = jnp.zeros((_L,), jnp.float32)
        plsc.store_scatter(tmp_v, [order], ones, mask=keep)
        m = tmp_v[...]
        mx = jnp.max(l)
        ex = jnp.exp(l - mx)
        w = ex / jnp.sum(ex)
        cb_v[pl.ds(i * N_EXPERTS_K, N_EXPERTS_K)] = w * m
        return carry

    lax.fori_loop(0, _TOK_PER_W, body, None)
    pltpu.sync_copy(cb_v, comb_hbm.at[pl.ds(base, _CHUNK)])


def _moe_body(h_ref, comb_ref, ew_ref, out_ref):
    e = pl.program_id(0)
    col = jax.lax.broadcasted_iota(
        jnp.int32, (h_ref.shape[0], N_EXPERTS_K), 1)
    y = jax.lax.dot_general(
        h_ref[...], ew_ref[0], (((1,), (1,)), ((), ())),
        preferred_element_type=jnp.float32)
    c = jnp.sum(jnp.where(col == e, comb_ref[...], 0.0), axis=1,
                keepdims=True)
    contrib = c * y

    @pl.when(e == 0)
    def _init():
        out_ref[...] = contrib

    @pl.when(e > 0)
    def _acc():
        out_ref[...] += contrib


@jax.jit
def kernel(hidden_states, gate_w, expert_w):
    b, t, d = hidden_states.shape
    tok = b * t
    h_flat = hidden_states.reshape(tok, d)
    n_exp = expert_w.shape[0]

    logits = pl.pallas_call(
        _logits_body,
        out_shape=jax.ShapeDtypeStruct((tok, n_exp), jnp.float32),
    )(h_flat, gate_w)

    comb = _sc_router(logits.reshape(-1)).reshape(tok, n_exp)

    out = pl.pallas_call(
        _moe_body,
        grid=(n_exp,),
        in_specs=[
            pl.BlockSpec((tok, d), lambda e: (0, 0)),
            pl.BlockSpec((tok, n_exp), lambda e: (0, 0)),
            pl.BlockSpec((1, d, d), lambda e: (e, 0, 0)),
        ],
        out_specs=pl.BlockSpec((tok, d), lambda e: (0, 0)),
        out_shape=jax.ShapeDtypeStruct((tok, d), jnp.float32),
    )(h_flat, comb, expert_w)
    return out.reshape(b, t, d), logits

# --- scband reference (transcript-rebuilt; emitter-appended) ---
"""Pipeline reference for scband-olmoe-sparse-moe-block-47227460386880 (READ-ONLY COPY).

The authoritative reference and input builder live on the scoring server;
editing this copy changes nothing except your own understanding.
"""

import jax, jax.numpy as jnp
import numpy as np

D_MODEL = 1024
N_EXPERTS = 16
TOP_K = 8
B = 1
T = 2048


def setup_inputs(seed: int = 0) -> dict:
    key = jax.random.key(seed)
    k1, k2, k3 = jax.random.split(key, 3)
    hidden_states = jax.random.normal(k1, (B, T, D_MODEL), dtype=jnp.float32)
    # nn.Linear(d_model, n_experts, bias=False) weight: [n_experts, d_model]
    gate_w = jax.random.normal(k2, (N_EXPERTS, D_MODEL), dtype=jnp.float32) * 0.02
    # stacked expert weights, each nn.Linear(d_model, d_model, bias=False): [E, out, in]
    expert_w = jax.random.normal(k3, (N_EXPERTS, D_MODEL, D_MODEL), dtype=jnp.float32) * 0.02
    return {"hidden_states": hidden_states, "gate_w": gate_w, "expert_w": expert_w}


def reference(hidden_states, gate_w, expert_w):
    b, t, d = hidden_states.shape
    h_flat = hidden_states.reshape(-1, d)  # [Tok, d]
    router_logits = h_flat @ gate_w.T  # [Tok, E]
    weights = jax.nn.softmax(router_logits, axis=-1)
    topk_vals, topk_idx = jax.lax.top_k(weights, TOP_K)  # [Tok, K]
    # combine weights per expert: sum over the k slots of (one_hot * topk_val)
    combine = jnp.sum(
        jax.nn.one_hot(topk_idx, N_EXPERTS, dtype=h_flat.dtype) * topk_vals[..., None],
        axis=1,
    )  # [Tok, E]
    # expert outputs: y_e = x @ W_e.T for each expert -> [Tok, E, d]
    all_out = jnp.einsum('td,eod->teo', h_flat, expert_w)
    out = jnp.einsum('te,teo->to', combine, all_out)  # [Tok, d]
    return out.reshape(b, t, d), router_logits

if __name__ == "__main__":
    import jax
    _d = setup_inputs()
    print(jax.jit(kernel)(*tuple(_d.values())))

</pallas_src>

<mosaic_0001>
#map = affine_map<(d0, d1) -> (0)>
module attributes {stable_mosaic.version = 14 : i64} {
  func.func @_sc_router(%arg0: i32, %arg1: i32, %arg2: memref<32768xf32, #tpu.memory_space<hbm>>, %arg3: memref<32768xf32, #tpu.memory_space<hbm>>, %arg4: memref<1024xf32, #tpu.memory_space<vmem>>, %arg5: memref<1024xf32, #tpu.memory_space<vmem>>, %arg6: memref<16xf32, #tpu.memory_space<vmem>>) attributes {dimension_semantics = [#tpu.dimension_semantics<core_parallel>, #tpu.dimension_semantics<subcore_parallel>], iteration_bounds = array<i64: 2, 16>, scalar_prefetch = 0 : i64, scratch_operands = 3 : i64, tpu.core_type = #tpu.core_type<sc_vector_subcore>, window_params = [{transform_indices = #map}, {transform_indices = #map}]} {
    %mul3A = arith.constant 2 : i32
    %mul3A_0 = arith.muli %arg1, %mul3A : i32
    %add3A = arith.addi %mul3A_0, %arg0 : i32
    %mul3A_1 = arith.constant 1024 : i32
    %mul3A_2 = arith.muli %add3A, %mul3A_1 : i32
    "tpu.region"() ({
      %run_scoped3A = tpu.sem_alloc : memref<!tpu.dma_semaphore, #tpu.memory_space<semaphore_mem>>
      %dma_start3A = tpu.memref_slice %arg2[%mul3A_2] : memref<32768xf32, #tpu.memory_space<hbm>> -> memref<1024xf32, #tpu.memory_space<hbm>>
      %dma_start3A_10 = tpu.memref_slice %arg2[%mul3A_2] : memref<32768xf32, #tpu.memory_space<hbm>> -> memref<1024xf32, #tpu.memory_space<hbm>>
      tpu.enqueue_dma source(%dma_start3A_10 : memref<1024xf32, #tpu.memory_space<hbm>>) target(%arg4 : memref<1024xf32, #tpu.memory_space<vmem>>) target_semaphore(%run_scoped3A : memref<!tpu.dma_semaphore, #tpu.memory_space<semaphore_mem>>)
      %dma_wait3A = tpu.memref_slice %arg2[%mul3A_2] : memref<32768xf32, #tpu.memory_space<hbm>> -> memref<1024xf32, #tpu.memory_space<hbm>>
      %dma_wait3A_11 = tpu.memref_slice %arg2[%mul3A_2] : memref<32768xf32, #tpu.memory_space<hbm>> -> memref<1024xf32, #tpu.memory_space<hbm>>
      tpu.wait_dma2 semaphore(%run_scoped3A : memref<!tpu.dma_semaphore, #tpu.memory_space<semaphore_mem>>) src(%dma_wait3A_11 : memref<1024xf32, #tpu.memory_space<hbm>>) dst(%arg4 : memref<1024xf32, #tpu.memory_space<vmem>>)
      tpu.yield
    }) : () -> ()
    %iota3A = tpu.iota {dimensions = array<i32: 0>} : vector<16xi32>
    %broadcast_in_dim3A = arith.constant 1.000000e+00 : f32
    %broadcast_in_dim3A_3 = vector.broadcast %broadcast_in_dim3A : f32 to vector<16xf32>
    %lt3A = arith.constant 8 : i32
    %lt3A_4 = vector.broadcast %lt3A : i32 to vector<16xi32>
    %lt3A_5 = arith.cmpi slt, %iota3A, %lt3A_4 : vector<16xi32>
    %scan3A = arith.constant 0 : i32
    %scan3A_6 = arith.constant 64 : i32
    %scan3A_7 = arith.addi %scan3A, %scan3A_6 : i32
    %scan3A_8 = arith.constant 1 : i32
    scf.for %scan3A_10 = %scan3A to %scan3A_7 step %scan3A_8  : i32 {
      %mul3A_11 = arith.constant 16 : i32
      %mul3A_12 = arith.muli %scan3A_10, %mul3A_11 : i32
      %get3A = arith.index_cast %mul3A_12 : i32 to index
      %get3A_13 = tpu.vector_load %arg4[%get3A] {strides = array<i32>} : memref<1024xf32, #tpu.memory_space<vmem>>, vector<16xf32>,
      %masked_sort3A = arith.constant dense<true> : vector<16xi1>
      %masked_sort3A_14, %masked_sort3A_15, %masked_sort3A_16 = tpu.sort %get3A_13, %iota3A masked %masked_sort3A {descending = true} : (vector<16xf32>, vector<16xi32>, vector<16xi1>) -> (vector<16xi1>, vector<16xf32>, vector<16xi32>)
      %broadcast_in_dim3A_17 = arith.constant 0.000000e+00 : f32
      %broadcast_in_dim3A_18 = vector.broadcast %broadcast_in_dim3A_17 : f32 to vector<16xf32>
      %swap3A = arith.constant 0 : index
      %swap3A_19 = tpu.vector_load %arg6[%swap3A] {strides = array<i32>} : memref<16xf32, #tpu.memory_space<vmem>>, vector<16xf32>,
      tpu.vector_store %arg6[%swap3A], %broadcast_in_dim3A_18 {strides = array<i32>} : memref<16xf32, #tpu.memory_space<vmem>>, vector<16xf32>,
      tpu.vector_store_idx %arg6[%masked_sort3A_16], %broadcast_in_dim3A_3 masked %lt3A_5 : memref<16xf32, #tpu.memory_space<vmem>>[vector<16xi32>], vector<16xf32>, vector<16xi1>
      %get3A_20 = arith.constant 0 : index
      %get3A_21 = tpu.vector_load %arg6[%get3A_20] {strides = array<i32>} : memref<16xf32, #tpu.memory_space<vmem>>, vector<16xf32>,
      %reduce_max3A = arith.constant true
      %reduce_max3A_22 = vector.broadcast %reduce_max3A : i1 to vector<16xi1>
      %reduce_max3A_23 = tpu.scan <max>, %get3A_13 masked %reduce_max3A_22 : vector<16xf32>, vector<16xi1> -> vector<16xf32>
      %reduce_max3A_24 = vector.extract %reduce_max3A_23[15] : f32 from vector<16xf32>
      %sub3A = vector.broadcast %reduce_max3A_24 : f32 to vector<16xf32>
      %sub3A_25 = arith.subf %get3A_13, %sub3A : vector<16xf32>
      %exp3A = math.exp %sub3A_25 : vector<16xf32>
      %reduce_sum3A = arith.constant true
      %reduce_sum3A_26 = vector.broadcast %reduce_sum3A : i1 to vector<16xi1>
      %reduce_sum3A_27 = tpu.scan <sum>, %exp3A masked %reduce_sum3A_26 : vector<16xf32>, vector<16xi1> -> vector<16xf32>
      %reduce_sum3A_28 = vector.extract %reduce_sum3A_27[15] : f32 from vector<16xf32>
      %div3A = vector.broadcast %reduce_sum3A_28 : f32 to vector<16xf32>
      %div3A_29 = arith.divf %exp3A, %div3A : vector<16xf32>
      %mul3A_30 = arith.mulf %div3A_29, %get3A_21 : vector<16xf32>
      %mul3A_31 = arith.constant 16 : i32
      %mul3A_32 = arith.muli %scan3A_10, %mul3A_31 : i32
      %swap3A_33 = arith.index_cast %mul3A_32 : i32 to index
      %swap3A_34 = tpu.vector_load %arg5[%swap3A_33] {strides = array<i32>} : memref<1024xf32, #tpu.memory_space<vmem>>, vector<16xf32>,
      tpu.vector_store %arg5[%swap3A_33], %mul3A_30 {strides = array<i32>} : memref<1024xf32, #tpu.memory_space<vmem>>, vector<16xf32>,
    }
    %scan3A_9 = arith.constant 64 : i32
    "tpu.region"() ({
      %run_scoped3A = tpu.sem_alloc : memref<!tpu.dma_semaphore, #tpu.memory_space<semaphore_mem>>
      %dma_start3A = tpu.memref_slice %arg3[%mul3A_2] : memref<32768xf32, #tpu.memory_space<hbm>> -> memref<1024xf32, #tpu.memory_space<hbm>>
      %dma_start3A_10 = tpu.memref_slice %arg3[%mul3A_2] : memref<32768xf32, #tpu.memory_space<hbm>> -> memref<1024xf32, #tpu.memory_space<hbm>>
      tpu.enqueue_dma source(%arg5 : memref<1024xf32, #tpu.memory_space<vmem>>) target(%dma_start3A_10 : memref<1024xf32, #tpu.memory_space<hbm>>) target_semaphore(%run_scoped3A : memref<!tpu.dma_semaphore, #tpu.memory_space<semaphore_mem>>)
      %dma_wait3A = tpu.memref_slice %arg3[%mul3A_2] : memref<32768xf32, #tpu.memory_space<hbm>> -> memref<1024xf32, #tpu.memory_space<hbm>>
      %dma_wait3A_11 = tpu.memref_slice %arg3[%mul3A_2] : memref<32768xf32, #tpu.memory_space<hbm>> -> memref<1024xf32, #tpu.memory_space<hbm>>
      tpu.wait_dma2 semaphore(%run_scoped3A : memref<!tpu.dma_semaphore, #tpu.memory_space<semaphore_mem>>) src(%arg5 : memref<1024xf32, #tpu.memory_space<vmem>>) dst(%dma_wait3A_11 : memref<1024xf32, #tpu.memory_space<hbm>>)
      tpu.yield
    }) : () -> ()
    return
  }
}

module attributes {stable_mosaic.version = 14 : i64} {
  func.func @_logits_body(%arg0: memref<2048x1024xf32, #tpu.memory_space<vmem>>, %arg1: memref<16x1024xf32, #tpu.memory_space<vmem>>, %arg2: memref<2048x16xf32, #tpu.memory_space<vmem>>) attributes {dimension_semantics = [], scalar_prefetch = 0 : i64, scratch_operands = 0 : i64, tpu.core_type = #tpu.core_type<tc>} {
    %get3A = arith.constant 0 : index
    %get3A_0 = arith.constant 0 : index
    %get3A_1 = vector.load %arg0[%get3A, %get3A_0] : memref<2048x1024xf32, #tpu.memory_space<vmem>>, vector<2048x1024xf32>
    %get3A_2 = arith.constant 0 : index
    %get3A_3 = arith.constant 0 : index
    %get3A_4 = vector.load %arg1[%get3A_2, %get3A_3] : memref<16x1024xf32, #tpu.memory_space<vmem>>, vector<16x1024xf32>
    %dot_general3A = arith.constant dense<0.000000e+00> : vector<2048x16xf32>
    %dot_general3A_5 = tpu.matmul %get3A_1, %get3A_4, %dot_general3A {dimension_numbers = #tpu.dot_dimension_numbers<[1], [1], [0], [0], [0, 0, 1, 0], [], []>, transpose_lhs_hint = false} : vector<2048x1024xf32>, vector<16x1024xf32>, vector<2048x16xf32> -> vector<2048x16xf32>
    %swap3A = arith.constant 0 : index
    %swap3A_6 = arith.constant 0 : index
    %swap3A_7 = vector.load %arg2[%swap3A, %swap3A_6] : memref<2048x16xf32, #tpu.memory_space<vmem>>, vector<2048x16xf32>
    tpu.vector_store %arg2[%swap3A, %swap3A_6], %dot_general3A_5 {strides = array<i32>} : memref<2048x16xf32, #tpu.memory_space<vmem>>, vector<2048x16xf32>,
    return
  }
}

module attributes {stable_mosaic.version = 14 : i64} {
  func.func @_moe_body(%arg0: i32, %arg1: memref<2048x1024xf32, #tpu.memory_space<vmem>>, %arg2: memref<2048x16xf32, #tpu.memory_space<vmem>>, %arg3: memref<1x1024x1024xf32, #tpu.memory_space<vmem>>, %arg4: memref<2048x1024xf32, #tpu.memory_space<vmem>>) attributes {dimension_semantics = [#tpu.dimension_semantics<arbitrary>], iteration_bounds = array<i64: 16>, scalar_prefetch = 0 : i64, scratch_operands = 0 : i64, tpu.core_type = #tpu.core_type<tc>, window_params = [{pipeline_mode = #tpu.pipeline_mode<synchronous>, transform_indices = @transform_0, window_bounds = array<i64: 2048, 1024>}, {pipeline_mode = #tpu.pipeline_mode<synchronous>, transform_indices = @transform_1, window_bounds = array<i64: 2048, 16>}, {transform_indices = @transform_2, window_bounds = array<i64: 1, 1024, 1024>}, {pipeline_mode = #tpu.pipeline_mode<synchronous>, transform_indices = @transform_3, window_bounds = array<i64: 2048, 1024>}]} {
    %iota3A = tpu.iota {dimensions = array<i32: 1>} : vector<2048x16xi32>
    %get3A = arith.constant 0 : index
    %get3A_0 = arith.constant 0 : index
    %get3A_1 = vector.load %arg1[%get3A, %get3A_0] : memref<2048x1024xf32, #tpu.memory_space<vmem>>, vector<2048x1024xf32>
    %get3A_2 = arith.constant 0 : index
    %get3A_3 = arith.constant 0 : index
    %get3A_4 = arith.constant 0 : index
    %get3A_5 = vector.load %arg3[%get3A_2, %get3A_3, %get3A_4] : memref<1x1024x1024xf32, #tpu.memory_space<vmem>>, vector<1x1024x1024xf32>
    %get3A_6 = vector.shape_cast %get3A_5 : vector<1x1024x1024xf32> to vector<1024x1024xf32>
    %dot_general3A = arith.constant dense<0.000000e+00> : vector<2048x1024xf32>
    %dot_general3A_7 = tpu.matmul %get3A_1, %get3A_6, %dot_general3A {dimension_numbers = #tpu.dot_dimension_numbers<[1], [1], [0], [0], [0, 0, 1, 0], [], []>, transpose_lhs_hint = false} : vector<2048x1024xf32>, vector<1024x1024xf32>, vector<2048x1024xf32> -> vector<2048x1024xf32>
    %eq3A = vector.broadcast %arg0 : i32 to vector<2048x16xi32>
    %eq3A_8 = arith.cmpi eq, %iota3A, %eq3A : vector<2048x16xi32>
    %get3A_9 = arith.constant 0 : index
    %get3A_10 = arith.constant 0 : index
    %get3A_11 = vector.load %arg2[%get3A_9, %get3A_10] : memref<2048x16xf32, #tpu.memory_space<vmem>>, vector<2048x16xf32>
    %jit3A = arith.constant 0.000000e+00 : f32
    %broadcast_in_dim3A = vector.broadcast %jit3A : f32 to vector<2048x16xf32>
    %select_n3A = arith.select %eq3A_8, %get3A_11, %broadcast_in_dim3A : vector<2048x16xi1>, vector<2048x16xf32>
    %reduce_sum3A = arith.constant dense<0.000000e+00> : vector<2048xf32>
    %reduce_sum3A_12 = vector.multi_reduction <add>, %select_n3A, %reduce_sum3A [1] : vector<2048x16xf32> to vector<2048xf32>
    %broadcast_in_dim3A_13 = vector.shape_cast %reduce_sum3A_12 : vector<2048xf32> to vector<2048x1xf32>
    %mul3A = vector.broadcast %broadcast_in_dim3A_13 : vector<2048x1xf32> to vector<2048x1024xf32>
    %mul3A_14 = arith.mulf %mul3A, %dot_general3A_7 : vector<2048x1024xf32>
    %eq3A_15 = arith.constant 0 : i32
    %eq3A_16 = arith.cmpi eq, %arg0, %eq3A_15 : i32
    %convert_element_type3A = arith.extui %eq3A_16 : i1 to i32
    %cond3A = arith.constant 0 : i32
    %cond3A_17 = arith.cmpi ne, %convert_element_type3A, %cond3A : i32
    scf.if %cond3A_17 {
      %swap3A = arith.constant 0 : index
      %swap3A_22 = arith.constant 0 : index
      %swap3A_23 = vector.load %arg4[%swap3A, %swap3A_22] : memref<2048x1024xf32, #tpu.memory_space<vmem>>, vector<2048x1024xf32>
      tpu.vector_store %arg4[%swap3A, %swap3A_22], %mul3A_14 {strides = array<i32>} : memref<2048x1024xf32, #tpu.memory_space<vmem>>, vector<2048x1024xf32>,
    } else {
    }
    %gt3A = arith.constant 0 : i32
    %gt3A_18 = arith.cmpi sgt, %arg0, %gt3A : i32
    %convert_element_type3A_19 = arith.extui %gt3A_18 : i1 to i32
    %cond3A_20 = arith.constant 0 : i32
    %cond3A_21 = arith.cmpi ne, %convert_element_type3A_19, %cond3A_20 : i32
    scf.if %cond3A_21 {
      %get3A_22 = arith.constant 0 : index
      %get3A_23 = arith.constant 0 : index
      %get3A_24 = vector.load %arg4[%get3A_22, %get3A_23] : memref<2048x1024xf32, #tpu.memory_space<vmem>>, vector<2048x1024xf32>
      %add3A = arith.addf %get3A_24, %mul3A_14 : vector<2048x1024xf32>
      %swap3A = arith.constant 0 : index
      %swap3A_25 = arith.constant 0 : index
      %swap3A_26 = vector.load %arg4[%swap3A, %swap3A_25] : memref<2048x1024xf32, #tpu.memory_space<vmem>>, vector<2048x1024xf32>
      tpu.vector_store %arg4[%swap3A, %swap3A_25], %add3A {strides = array<i32>} : memref<2048x1024xf32, #tpu.memory_space<vmem>>, vector<2048x1024xf32>,
    } else {
    }
    return
  }
  func.func @transform_0(%arg0: i32) -> (i32, i32) {
    %c0_i32 = arith.constant 0 : i32
    %c0_i32_0 = arith.constant 0 : i32
    %c0_i32_1 = arith.constant 0 : i32
    return %c0_i32, %c0_i32_0 : i32, i32
  }
  func.func @transform_1(%arg0: i32) -> (i32, i32) {
    %c0_i32 = arith.constant 0 : i32
    %c0_i32_0 = arith.constant 0 : i32
    %c0_i32_1 = arith.constant 0 : i32
    return %c0_i32, %c0_i32_0 : i32, i32
  }
  func.func @transform_2(%arg0: i32) -> (i32, i32, i32) {
    %c0_i32 = arith.constant 0 : i32
    %c0_i32_0 = arith.constant 0 : i32
    %c0_i32_1 = arith.constant 0 : i32
    return %arg0, %c0_i32, %c0_i32_0 : i32, i32, i32
  }
  func.func @transform_3(%arg0: i32) -> (i32, i32) {
    %c0_i32 = arith.constant 0 : i32
    %c0_i32_0 = arith.constant 0 : i32
    %c0_i32_1 = arith.constant 0 : i32
    return %c0_i32, %c0_i32_0 : i32, i32
  }
}

</mosaic_0001>

<sc_bundles>
// kernel: kernel.5.cloned.1.call-start
scs
__scs_entry_jumppad:
0x0: {  	(pc) =	sbr.rel $0x88, $3  }
0x1: {  	(tag) =	ssettag $0x0;
	lr =	simm.s32 $0x1  }
0x2: {  	[smem:$0x3F9E] =	sst lr;
	_ =	strace $0xD0000000  }
0x3: {  	_ = 	snop  }
0x4: {  	_ = 	snop  }
0x5: {  	_ = 	snop  }
0x6: {  	_ = 	snop  }
0x7: {  	_ = 	snop  }
__scs_overlays_trampoline_lowered:
0x8: {  	[smem:$0x3FAD] =	sst s0  }
0x9: {  	[smem:$0x3FAE] =	sst s1  }
0xa: {  	[smem:$0x3FAF] =	sst s2  }
0xb: {  	[smem:$0x3FB0] =	sst s3  }
0xc: {  	[smem:$0x3FB1] =	sst s4  }
0xd: {  	[smem:$0x3FB2] =	sst s5  }
0xe: {  	[smem:$0x3FB3] =	sst s6  }
0xf: {  	[smem:$0x3FB4] =	sst s7  }
0x10: {  	[smem:$0x3FB5] =	sst s8  }
0x11: {  	[smem:$0x3FB6] =	sst s9;
	s0 =	simm.s32 @!p0 $0x0  }
0x12: {  	s1 =	sld [smem:$0x3F9C];
	s0 =	simm.s32 @p0 $0x1  }
0x13: {  	[smem:$0x3FB7] =	sst s0;
	s0 =	simm.s32 @!p1 $0x0  }
0x14: {  	s2 =	sld [smem:$0x3F9B];
	s0 =	simm.s32 @p1 $0x1  }
0x15: {  	[smem:$0x3FB8] =	sst s0;
	s0 =	simm.s32 @!p2 $0x0  }
0x16: {  	s3 =	sld [smem:$0x3FDB];
	s0 =	simm.s32 @p2 $0x1  }
0x17: {  	s4 =	simm.s32 $0x1BF5;
	[smem:$0x3FBA] =	sst s0  }
0x18: {  	s0 =	sld [smem:$0x3F9D];
	_ =	swait.ge [sflag:s4], $0x0  }
0x19: {  	s7 =	sld [smem:$0x3F9E]  }
0x1a: {  	s8 =	sadd.s32 $0xFFFFE003, lr  }
0x1b: {  	s9 =	sadd.s32 $0xFFFFFEF7, lr;
	s5 =	simm.s32 $0xFFFFFFFF;
	p2 =	slt.u32 s8, $0xFFFFF086  }
0x1c: {  	p1 =	slt.u32 s9, $0xF7A;
	s5 =	simm.s32 @!p2 $0x0  }
0x1d: {  	s5 =	simm.s32 @p1 $0x1;
	p0 =	seq.s32 s7, s2  }
0x1e: {  	s7 =	smul.u32 @!p0 $0xF7A, s2;
	p2 =	seq.s32 @!p0 s5, $0x0  }
0x1f: {  	s9 =	smul.u32 $0xF7A, s1;
	s8 =	simm.s32 @!p0 $0x1BF5;
	p2 =	por !p2, p0  }
0x20: {  	[sflag:s8] =	ssyncset.s32 @!p0 $0xFFFFF086;
	s6 =	sadd.s32 @!p0 s3, s7;
	s7 =	simm.s32 @!p0 $0x108  }
0x21: {  	s3 =	sadd.s32 s3, s9;
	s6 =	sadd.s32 @!p0 $0x88, s6;
	s7 =	simm.s32 @p2 $0x1082  }
0x22: {  	[simem:s7], [sflag:s8] =	dma.local @!p0 [hbm:s6], $0xF7A  }
0x23: {  	s9 =	sor.u32 $0xD0000000, s2;
	s6 =	simm.s32 $0x108;
	_ =	swait.ge @!p0 [sflag:s8], $0x0  }
0x24: {  	s3 =	sadd.s32 $0x88, s3;
	s6 =	simm.s32 @!p1 $0x1082;
	[sflag:s4] =	ssyncset.s32 $0xFFFFF086  }
0x25: {  	[simem:s6], [sflag:s4] =	dma.local [hbm:s3], $0xF7A  }
0x26: {  	[smem:$0x3F9E] =	sst s1;
	(tag) =	ssettag s2;
	_ =	strace s9  }
0x27: {  	s1 =	sld [smem:$0x3FAE]  }
0x28: {  	s2 =	sld [smem:$0x3FAF]  }
0x29: {  	s4 =	sld [smem:$0x3FB1]  }
0x2a: {  	p0 =	seq.s32 s5, $0x0;
	s5 =	sld [smem:$0x3FB2]  }
0x2b: {  	s6 =	sld [smem:$0x3FB3]  }
0x2c: {  	s7 =	sld [smem:$0x3FB4]  }
0x2d: {  	s3 =	simm.s32 $0x108;
	s8 =	sld [smem:$0x3FB5]  }
0x2e: {  	s3 =	simm.s32 @!p0 $0x1082;
	s9 =	sld [smem:$0x3FB6]  }
0x2f: {  	lr =	sadd.s32 s0, s3;
	s0 =	sld [smem:$0x3FAD]  }
0x30: {  	s3 =	sld [smem:$0x3FB0]  }
0x31: {  	[smem:$0x3FB9] =	sst s10  }
0x32: {  	s10 =	sld [smem:$0x3FB7];
	_ =	sdelay $0x3  }
0x33: {  	p0 =	seq.s32 s10, $0x1;
	s10 =	sld [smem:$0x3FB9];
	_ =	sdelay $0x3  }
0x34: {  	[smem:$0x3FB9] =	sst s10  }
0x35: {  	s10 =	sld [smem:$0x3FB8];
	_ =	sdelay $0x3  }
0x36: {  	p1 =	seq.s32 s10, $0x1;
	s10 =	sld [smem:$0x3FB9];
	_ =	sdelay $0x3  }
0x37: {  	[smem:$0x3FB9] =	sst s10  }
0x38: {  	s10 =	sld [smem:$0x3FBA]  }
0x39: {  	_ = 	snop;
	(pc) =	sbr.ind lr, $3  }
0x3a: {  	_ = 	snop  }
0x3b: {  	_ = 	snop  }
0x3c: {  	p2 =	seq.s32 s10, $0x1;
	s10 =	sld [smem:$0x3FB9]  }
0x3d: {  	_ =	shalt  }
0x3e: {  	_ =	shalt  }
0x3f: {  	_ =	shalt  }
0x40: {  	_ =	shalt  }
0x41: {  	_ =	shalt  }
0x42: {  	_ =	shalt  }
0x43: {  	_ =	shalt  }
0x44: {  	_ =	shalt  }
0x45: {  	_ =	shalt  }
0x46: {  	_ =	shalt  }
0x47: {  	_ =	shalt  }
0x48: {  	_ =	shalt  }
0x49: {  	_ =	shalt  }
0x4a: {  	_ =	shalt  }
0x4b: {  	_ =	shalt  }
0x4c: {  	_ =	shalt  }
0x4d: {  	_ =	shalt  }
0x4e: {  	_ =	shalt  }
0x4f: {  	_ =	shalt  }
0x50: {  	_ =	shalt  }
0x51: {  	_ =	shalt  }
0x52: {  	_ =	shalt  }
0x53: {  	_ =	shalt  }
0x54: {  	_ =	shalt  }
0x55: {  	_ =	shalt  }
0x56: {  	_ =	shalt  }
0x57: {  	_ =	shalt  }
0x58: {  	_ =	shalt  }
0x59: {  	_ =	shalt  }
0x5a: {  	_ =	shalt  }
0x5b: {  	_ =	shalt  }
0x5c: {  	_ =	shalt  }
0x5d: {  	_ =	shalt  }
0x5e: {  	_ =	shalt  }
0x5f: {  	_ =	shalt  }
0x60: {  	_ =	shalt  }
0x61: {  	_ =	shalt  }
0x62: {  	_ =	shalt  }
0x63: {  	_ =	shalt  }
0x64: {  	_ =	shalt  }
0x65: {  	_ =	shalt  }
0x66: {  	_ =	shalt  }
0x67: {  	_ =	shalt  }
0x68: {  	_ =	shalt  }
0x69: {  	_ =	shalt  }
0x6a: {  	_ =	shalt  }
0x6b: {  	_ =	shalt  }
0x6c: {  	_ =	shalt  }
0x6d: {  	_ =	shalt  }
0x6e: {  	_ =	shalt  }
0x6f: {  	_ =	shalt  }
0x70: {  	_ =	shalt  }
0x71: {  	_ =	shalt  }
0x72: {  	_ =	shalt  }
0x73: {  	_ =	shalt  }
0x74: {  	_ =	shalt  }
0x75: {  	_ =	shalt  }
0x76: {  	_ =	shalt  }
0x77: {  	_ =	shalt  }
0x78: {  	_ =	shalt  }
0x79: {  	_ =	shalt  }
0x7a: {  	_ =	shalt  }
0x7b: {  	_ =	shalt  }
0x7c: {  	_ =	shalt  }
0x7d: {  	_ =	shalt  }
0x7e: {  	_ =	shalt  }
0x7f: {  	_ =	shalt  }
0x80: {  	_ =	shalt  }
0x81: {  	_ =	shalt  }
0x82: {  	_ =	shalt  }
0x83: {  	_ =	shalt  }
0x84: {  	_ =	shalt  }
0x85: {  	_ =	shalt  }
0x86: {  	_ =	shalt  }
0x87: {  	_ =	shalt  }
.Lfunc_end0:
.L_simem_size_0:
called_computation_lowered:
.L_overlay_start_0:
0x88: {  	s2 =	sld [smem:$0x3FD9]  }
0x89: {  	s3 =	sld [smem:$0x3FFE];
	_ =	sdelay $0x1  }
0x8a: {  	s1 =	srdreg.scid  }
0x8b: {  	s0 =	sand.u32 $0x1, s1  }
0x8c: {  	s14 =	sshll.u32 s0, $0xA;
	s2 =	sadd.s32 s3, s2  }
0x8d: {  	s2 =	sadd.s32 s2, s14  }
0x8e: {  	[smem:$0x3FC5] =	sst s2  }
0x8f: {  	_ = 	snop  }
0x90: {  	s2 =	sld [smem:$0x3FD0];
	_ =	sdelay $0x2  }
0x91: {  	s15 =	simm.s32 $0xA;
	s4 =	simm.s32 $0x10  }
0x92: {  	[smem:s4], [sflag:s15] =	dma.local [hbm:s2], $0x1  }
0x93: {  	_ =	swait.eq [sflag:s15], $0x1  }
0x94: {  	[sflag:s15] =	ssyncset.done $0x0  }
0x95: {  	[sflag:s15] =	ssyncadd.s32 $0xFFFFFFFF  }
0x96: {  	s16 =	sld [smem:$0x10];
	(tm) =	ssettm $0x1  }
0x97: {  	s17 =	sld [smem:$0x3FFB];
	_ =	sdelay $0x3  }
0x98: {  	_ =	strace s17  }
0x99: {  	s3 =	sld [smem:$0x3FFC];
	_ =	sdelay $0x3  }
0x9a: {  	_ =	strace s3  }
0x9b: {  	s3 =	sld [smem:$0x3FFD];
	_ =	sdelay $0x3  }
0x9c: {  	_ =	strace s3  }
0x9d: {  	_ =	strace $0x8FFFFFFF  }
0x9e: {  	s18 =	sld [smem:$0x3FDB];
	_ =	sdelay $0x1  }
0x9f: {  	s19 =	simm.s32 $_scs_section_size  }
0xa0: {  	s5 =	simm.s32 $_size__tile_overlayer_lowered;
	s6 =	simm.s32 $_tile_overlayer_lowered  }
0xa1: {  	s22 =	simm.s32 $0x1BFF;
	s21 =	sshll.u32 s6, $0x1;
	s3 =	sadd.s32 s19, s18  }
0xa2: {  	s7 =	simm.s32 $0x0;
	s20 =	sshll.u32 s5, $0x1;
	s5 =	sadd.s32 s21, s3  }
0xa3: {  	[timem:s7], [sflag:s22] =	dma.local [hbm:s5], s20  }
0xa4: {  	_ =	swait.ge [sflag:s22], s20  }
0xa5: {  	s4 =	ssub.s32 $0x0, s20;
	[sflag:s22] =	ssyncset.done $0x0  }
0xa6: {  	[sflag:s22] =	ssyncadd.s32 s4;
	_ =	sdelay $0x1  }
0xa7: {  	s23 =	simm.s32 $0x1B8B  }
0xa8: {  	_ =	swait.ge [sflag:s23], $0x1  }
0xa9: {  	[sflag:s23] =	ssyncset.done $0x0  }
0xaa: {  	s25 =	simm.s32 $0x1B8E;
	s24 =	sld [smem:$0x3FFE];
	[sflag:s23] =	ssyncadd.s32 $0xFFFFFFFF  }
0xab: {  	s26 =	simm.s32 $execute0_lowered;
	[smem:$0x3FD2] =	sst s25  }
0xac: {  	s5 =	sshll.u32 s26, $0x1;
	_ =	strace $0x80000046;
	[dreg:$0x1] =	wrdreg $0xFFFFFFFF  }
0xad: {  	s28 =	simm.s32 $_size_execute0_lowered;
	s3 =	sadd.s32 s3, s5;
	[dreg:$0x0] =	wrdreg $0x0  }
0xae: {  	s5 =	sshll.u32 s28, $0x1;
	[dreg:$0x2] =	wrdreg s3  }
0xaf: {  	[dreg:$0x3] =	wrdreg s5  }
0xb0: {  	[dreg:$0x4] =	wrdreg $0xC0  }
0xb1: {  	_ =	task [dreg:s7], $0x5FFFF  }
0xb2: {  	[dreg:$0x1] =	wrdreg $0xFFFFFFFF  }
0xb3: {  	[dreg:$0x0] =	wrdreg $0x60  }
0xb4: {  	[dreg:$0x2] =	wrdreg s16  }
0xb5: {  	[dreg:$0x3] =	wrdreg s24  }
0xb6: {  	[dreg:$0x4] =	wrdreg $0x9  }
0xb7: {  	_ =	task.clear_ibuf [dreg:s7], $0x5FFFF;
	_ =	strace $0x90000046  }
0xb8: {  	s29 =	simm.s32 $0x9;
	_ =	strace $0x80000048  }
0xb9: {  	_ =	swait.ge [sflag:s29], $0x1  }
0xba: {  	[sflag:s29] =	ssyncadd.s32 $0xFFFFFFFF  }
0xbb: {  	_ =	strace $0x90000048  }
0xbc: {  	_ =	sfence  }
0xbd: {  	s30 =	sld [smem:$0x0];
	_ =	sdelay $0x2  }
0xbe: {  	s31 =	sshll.u32 s1, $0xD;
	s1 =	sshrl.u32 s1, $0x2  }
0xbf: {  	s3 =	sand.u32 $0x4000, s31;
	s1 =	sadd.s32 s1, s30  }
0xc0: {  	s0 =	sor.u32 s3, s0;
	s1 =	sshll.u32 s1, $0x11  }
0xc1: {  	s0 =	sor.u32 s1, s0  }
0xc2: {  	s0 =	sadd.s32 $0x8F2B, s0  }
0xc3: {  	[sflag:s0] =	ssyncadd.remote.s32 $0x1  }
0xc4: {  	_ =	sfence.sel $0xFFFF  }
0xc5: {  	[dreg:$0x0] =	wrdreg $0xFFFFFFFF;
	(pc) =	sbr.abs _section_cstart, $3  }
0xc6: {  	[dreg:$0x1] =	wrdreg $0xFFFFFFFF  }
0xc7: {  	_ =	task.clear_ibuf [dreg:s7], $0x2FFFF;
	_ =	strace $0x9FFFFFFF  }
0xc8: {  	(tm) =	ssettm $0x7FFFFFFF  }
0xc9: {  	_ =	shalt  }
tec
execute0_lowered:
.L_overlay_start_1:
0x0: {  	(tag) =	ssettag $0x1  }
0x1: {  	s3 =	rddreg [dreg:$0x0]  }
0x2: {  	s4 =	rddreg [dreg:$0x1]  }
0x3: {  	s0 =	rddreg [dreg:$0x2];
	s2 =	simm.s32 $0x0;
	s5 =	srdreg.scid  }
0x4: {  	s1 =	stileid.u32;
	s8 =	simm.s32 $0x400;
	s9 =	simm.s32 $0x0  }
0x5: {  	[smem:$0x7FF] =	sst s2;
	s5 =	sand.u32 $0x1, s5;
	s6 =	sshll.u32 s1, $0x8  }
0x6: {  	s7 =	sshll.u32 s5, $0x7;
	s5 =	ssub.s32 $0x2, s5;
	_ =	strace $0x80000047  }
0x7: {  	s6 =	sor.u32 s7, s6;
	s31 =	sshrl.u32 s5, $0x1;
	s7 =	simm.s32 $0x800  }
0x8: {  	s4 =	sadd.s32 s6, s4;
	s5 =	ssub.s32 s5, s31;
	s3 =	sadd.s32 s3, s6  }
0x9: {  	v0 =	vlaneseq.u32;
	v1 =	vimm.f32 $0.0e+00;
	v2 =	vimm.f32 $1.000000000e+00;
	s6 =	simm.s32 $0x1;
	s4 =	sadd.s32 $0x800, s4;
	s5 =	smax.u32 s5, $0x1  }
.LBB2_1:
0xa: {  	[tilespmem:s2], [sflag:$0x1] =	stream.linear.gather [hbm4b:s3+s2], $0x400, $0x38;
	[tilespmem:$0x880] =	vst v63  }
0xb: {  	_ =	swait.ge [sflag:s6], $0x400  }
0xc: {  	[sflag:s6] =	ssyncset.done $0x0  }
0xd: {  	s10 =	simm.s32 $0x0;
	[sflag:s6] =	ssyncadd.s32 $0xFFFFFC00  }
0xe: {  	v3 =	vld [tilespmem:s10+$0x0];
	_ =	sdelay $0x4  }
0xf: {  	(xrf0) =	vmax.scan.msk.f32 $0xffff, v3;
	_ =	sdelay $0x5  }
0x10: {  	v4, _, _ =	vpop (xrf0)  }
0x11: {  	(xrf1) =	vsort.dscd.msk.f32 $0xffff, v3, v0;
	v4 =	vbroadcast v4, $0xF;
	_ =	sdelay $0x1  }
0x12: {  	v4 =	vsub.f32 v3, v4;
	_ =	sdelay $0x1  }
0x13: {  	v3 =	vmul.f32 $1.442695020e+00, v4;
	_ =	sdelay $0x1  }
0x14: {  	(erf) = vpow2.f32 v3;
	_ =	sdelay $0x7  }
0x15: {  	_, v4, _ =	vpop (xrf1)  }
0x16: {  	v3 =	vpop (erf)  }
0x17: {  	(xrf2) =	vadd.scan.msk.f32 $0xffff, v3;
	_ =	sdelay $0x1  }
0x18: {  	[tilespmem:$0x800] =	vst v1  }
0x19: {  	s11 =	simm.s32 $0x10;
	[tilespmem:v4+s7+$0x0] =	vst.idx.msk $0xff, v2  }
0x1a: {  	v4 =	vld [tilespmem:s11+$0x0];
	_ =	sdelay $0x4  }
0x1b: {  	(xrf0) =	vmax.scan.msk.f32 $0xffff, v4  }
0x1c: {  	v5, _, _ =	vpop (xrf2)  }
0x1d: {  	v5 =	vbroadcast v5, $0xF;
	_ =	sdelay $0x1  }
0x1e: {  	(erf) = vrcp.f32 v5  }
0x1f: {  	(xrf1) =	vsort.dscd.msk.f32 $0xffff, v4, v0  }
0x20: {  	v5, _, _ =	vpop (xrf0)  }
0x21: {  	v5 =	vbroadcast v5, $0xF;
	_ =	sdelay $0x1  }
0x22: {  	v4 =	vsub.f32 v4, v5;
	_ =	sdelay $0x1  }
0x23: {  	v4 =	vmul.f32 $1.442695020e+00, v4;
	_ =	sdelay $0x1  }
0x24: {  	v5 =	vpop (erf);
	(erf) = vpow2.f32 v4  }
0x25: {  	v6 =	vld [tilespmem:$0x800];
	_ =	sdelay $0x2  }
0x26: {  	v5 =	vmul.f32 v5, v3;
	_ =	sdelay $0x1  }
0x27: {  	s12 =	simm.s32 $0x80;
	_, v3, _ =	vpop (xrf1);
	v4 =	vmul.f32 v5, v6  }
.LBB2_2:
0x28: {  	_ = 	snop  }
0x29: {  	p0 =	sne.s32 s12, $0xFC0;
	s13 =	smov.u32 s12;
	s12 =	sadd.s32 $0x40, s12;
	[tilespmem:s10+$0x400] =	vst v4  }
0x2a: {  	s10 =	smov.u32 s11;
	[tilespmem:$0x800] =	vst v1;
	v4 =	vpop (erf)  }
0x2b: {  	s11 =	sshra.s32 s13, $0x2;
	[tilespmem:v3+s7+$0x0] =	vst.idx.msk $0xff, v2;
	(xrf2) =	vadd.scan.msk.f32 $0xffff, v4  }
0x2c: {  	v3 =	vld [tilespmem:s11+$0x0];
	_ =	sdelay $0x4  }
0x2d: {  	(xrf0) =	vmax.scan.msk.f32 $0xffff, v3;
	_ =	sdelay $0x3  }
0x2e: {  	(xrf1) =	vsort.dscd.msk.f32 $0xffff, v3, v0;
	v5, _, _ =	vpop (xrf2)  }
0x2f: {  	v5 =	vbroadcast v5, $0xF  }
0x30: {  	v6, _, _ =	vpop (xrf0)  }
0x31: {  	v6 =	vbroadcast v6, $0xF;
	(erf) = vrcp.f32 v5;
	_ =	sdelay $0x1  }
0x32: {  	v3 =	vsub.f32 v3, v6;
	_ =	sdelay $0x1  }
0x33: {  	v3 =	vmul.f32 $1.442695020e+00, v3;
	_ =	sdelay $0x1  }
0x34: {  	(erf) = vpow2.f32 v3  }
0x35: {  	v5 =	vld [tilespmem:$0x800]  }
.Ltmp0:
0x36: {  	(pc) =	sbr.rel @p0 .LBB2_2-.Ltmp0, $4  }
0x37: {  	v3 =	vpop (erf)  }
0x38: {  	v4 =	vmul.f32 v3, v4  }
0x39: {  	_, v3, _ =	vpop (xrf1)  }
0x3a: {  	v4 =	vmul.f32 v4, v5  }
0x3b: {  	_ =	sdelay $0x1  }
0x3c: {  	v5 =	vpop (erf)  }
0x3d: {  	(xrf2) =	vadd.scan.msk.f32 $0xffff, v5;
	_ =	sdelay $0x9  }
0x3e: {  	v6, _, _ =	vpop (xrf2)  }
0x3f: {  	v6 =	vbroadcast v6, $0xF;
	_ =	sdelay $0x1  }
0x40: {  	(erf) = vrcp.f32 v6;
	_ =	sdelay $0x3  }
0x41: {  	[tilespmem:s10+$0x400] =	vst v4  }
0x42: {  	[tilespmem:$0x800] =	vst v1  }
0x43: {  	[tilespmem:v3+s7+$0x0] =	vst.idx.msk $0xff, v2  }
0x44: {  	v3 =	vld [tilespmem:$0x800];
	_ =	sdelay $0x1  }
0x45: {  	v63 =	vpop (erf)  }
0x46: {  	v4 =	vmul.f32 v63, v5;
	_ =	sdelay $0x1  }
0x47: {  	s9 =	sadd.s32 $0x1, s9;
	v3 =	vmul.f32 v4, v3  }
0x48: {  	p0 =	sne.s32 s9, s5  }
.Ltmp1:
0x49: {  	[tilespmem:s11+$0x400] =	vst v3;
	(pc) =	sbr.rel @p0 .LBB2_1-.Ltmp1, $4  }
0x4a: {  	[hbm4b:s4+s2] =	stream.linear.scatter [tilespmem:s8], [sflag:$0x1], $0x400, $0x38;
	[tilespmem:$0x880] =	vst v63  }
0x4b: {  	_ =	swait.ge [sflag:s6], $0x400  }
0x4c: {  	[sflag:s6] =	ssyncset.done $0x0  }
0x4d: {  	[sflag:s6] =	ssyncadd.s32 $0xFFFFFC00  }
0x4e: {  	_ =	sfence.sel $0x180000  }
0x4f: {  	[bflag:$0x0] =	sbarrier.arrive $0xFFFF  }
0x50: {  	p0 =	sne.s32 s1, $0x0;
	_ =	strace $0x90000047  }
0x51: {  	s0 =	sadd.s32 @!p0 $0x100000, s0;
	[bflag:$0x2] =	sbarrier.arrive $0xFFFF  }
0x52: {  	[sflag:s0] =	ssyncadd.tile.s32 @!p0 $0x1;
	_ =	shalt  }
.Lfunc_end2:
_tile_overlayer_lowered:
.L_overlay_start_2:
0x53: {  	(tag) =	ssettag $0x2  }
0x54: {  	s0 =	rddreg [dreg:$0x0];
	s2 =	stileid.u32  }
0x55: {  	s1 =	rddreg [dreg:$0x1];
	p0 =	sne.s32 s2, $0x0  }
0x56: {  	s3 =	rddreg [dreg:$0x2];
	[bflag:$0x3] =	sbarrier.arrive $0xFFFF;
	s2 =	simm.s32 @!p0 $0x1C01  }
0x57: {  	[timem:s3], [sflag:s2] =	dma.local @!p0 [hbm:s0], s1  }
0x58: {  	s0 =	simm.s32 @!p0 $0x1  }
0x59: {  	_ =	swait.ge @!p0 [sflag:s0], s1  }
0x5a: {  	s1 =	ssub.s32 @!p0 $0x0, s1;
	[sflag:s0] =	ssyncset.done @!p0 $0x0  }
0x5b: {  	[sflag:s0] =	ssyncadd.s32 @!p0 s1  }
0x5c: {  	[bflag:$0x3] =	sbarrier.arrive $0xFFFF  }
0x5d: {  	_ =	shalt  }

</sc_bundles>
